<compile_context>
chip_gen: v7x
topology: tpu7x:2x2x1
jax: 0.10.2.dev20260603
libtpu: 0.0.44.dev20260713+nightly
codegen_flags: <defaults>
</compile_context>

<pallas_src>
import functools

import jax
import jax.numpy as jnp
from jax import lax
from jax.experimental import pallas as pl
from jax.experimental.pallas import tpu as pltpu
from jax.experimental.pallas import tpu_sc as plsc

_NC, _NS, _L = 2, 16, 16
_NW = _NC * _NS
_TPAD = 1024
_BB = 64


def _sqrt_tables_kernel(ab_ref, sq_ref):
    ab = ab_ref[...]
    sq_ref[0:1, :] = jnp.sqrt(ab)
    sq_ref[1:2, :] = jnp.sqrt(jnp.maximum(1.0 - ab, 0.0))


def _make_sc_gather(B):
    rows = B // _NW
    mesh = plsc.VectorSubcoreMesh(core_axis_name="c", subcore_axis_name="s")

    @functools.partial(
        pl.kernel,
        out_type=[
            jax.ShapeDtypeStruct((B,), jnp.float32),
            jax.ShapeDtypeStruct((B,), jnp.float32),
        ],
        mesh=mesh,
        scratch_types=[
            pltpu.VMEM((rows,), jnp.int32),
            pltpu.VMEM((_TPAD,), jnp.float32),
            pltpu.VMEM((_TPAD,), jnp.float32),
            pltpu.VMEM((rows,), jnp.float32),
            pltpu.VMEM((rows,), jnp.float32),
        ],
        compiler_params=pltpu.CompilerParams(needs_layout_passes=False),
    )
    def sc_gather(sqa_hbm, sqb_hbm, t_hbm, ca_hbm, cb_hbm,
                  tv, sqa_v, sqb_v, cav, cbv):
        wid = lax.axis_index("s") * _NC + lax.axis_index("c")
        base = wid * rows

        pltpu.sync_copy(sqa_hbm, sqa_v)
        pltpu.sync_copy(sqb_hbm, sqb_v)
        pltpu.sync_copy(t_hbm.at[pl.ds(base, rows)], tv)

        for k in range(rows // _L):
            idx = tv[pl.ds(k * _L, _L)]
            cav[pl.ds(k * _L, _L)] = plsc.load_gather(sqa_v, [idx])
            cbv[pl.ds(k * _L, _L)] = plsc.load_gather(sqb_v, [idx])

        pltpu.sync_copy(cav, ca_hbm.at[pl.ds(base, rows)])
        pltpu.sync_copy(cbv, cb_hbm.at[pl.ds(base, rows)])

    return sc_gather


def _scale_kernel(a_ref, b_ref, x0_ref, eps_ref, noisy_ref):
    noisy_ref[...] = a_ref[...] * x0_ref[...] + b_ref[...] * eps_ref[...]


def kernel(x0, t, eps, alphabar):
    B, S, D = x0.shape
    SD = S * D
    T = alphabar.shape[0]
    x2 = x0.reshape(B, SD)
    e2 = eps.reshape(B, SD)
    ti = t.astype(jnp.int32)
    abp = jnp.concatenate(
        [alphabar, jnp.full((_TPAD - T,), 0.5, jnp.float32)]
    ).reshape(1, _TPAD)
    sq = pl.pallas_call(
        _sqrt_tables_kernel,
        out_shape=jax.ShapeDtypeStruct((2, _TPAD), jnp.float32),
    )(abp)
    ca, cb = _make_sc_gather(B)(sq[0], sq[1], ti)
    ca2 = ca.reshape(B, 1)
    cb2 = cb.reshape(B, 1)
    grid = (B // _BB,)
    noisy = pl.pallas_call(
        _scale_kernel,
        grid=grid,
        in_specs=[
            pl.BlockSpec((_BB, 1), lambda i: (i, 0)),
            pl.BlockSpec((_BB, 1), lambda i: (i, 0)),
            pl.BlockSpec((_BB, SD), lambda i: (i, 0)),
            pl.BlockSpec((_BB, SD), lambda i: (i, 0)),
        ],
        out_specs=pl.BlockSpec((_BB, SD), lambda i: (i, 0)),
        out_shape=jax.ShapeDtypeStruct((B, SD), jnp.float32),
        compiler_params=pltpu.CompilerParams(
            dimension_semantics=("parallel",),
        ),
    )(ca2, cb2, x2, e2)
    return noisy.reshape(B, S, D), eps

# --- scband reference (transcript-rebuilt; emitter-appended) ---
"""Pipeline reference for scband-diffusion-3521873182909 (READ-ONLY COPY).

The authoritative reference and input builder live on the scoring server;
editing this copy changes nothing except your own understanding.
"""

import jax, jax.numpy as jnp
import numpy as np

T = 1000
BETA_START = 0.0001
BETA_END = 0.02
B, S, D = 4096, 200, 64


def setup_inputs(seed: int = 0) -> dict:
    key = jax.random.key(seed)
    k1, k2, k3 = jax.random.split(key, 3)
    x0 = jax.random.normal(k1, (B, S, D), dtype=jnp.float32)
    t = jax.random.randint(k2, (B,), 0, T, dtype=jnp.int64) if jax.config.jax_enable_x64 else jax.random.randint(k2, (B,), 0, T, dtype=jnp.int32)
    eps = jax.random.normal(k3, (B, S, D), dtype=jnp.float32)
    # buffers per __init__ (T=1000, beta_start=1e-4, beta_end=2e-2)
    beta = jnp.linspace(BETA_START, BETA_END, T, dtype=jnp.float32)
    alpha = 1.0 - beta
    alphabar = jnp.cumprod(alpha, axis=0)
    return {"x0": x0, "t": t, "eps": eps, "alphabar": alphabar}


def reference(x0, t, eps, alphabar):
    # gather (embedding-style lookup) of schedule values by timestep
    a_bar = jnp.take(alphabar, t, axis=0).reshape(-1, 1, 1)
    noisy = jnp.sqrt(a_bar) * x0 + jnp.sqrt(1.0 - a_bar) * eps
    return (noisy, eps)

if __name__ == "__main__":
    import jax
    _d = setup_inputs()
    print(jax.jit(kernel)(*tuple(_d.values())))

</pallas_src>

<mosaic_0001>
#map = affine_map<(d0, d1) -> (0)>
module attributes {stable_mosaic.version = 14 : i64} {
  func.func @sc_gather(%arg0: i32, %arg1: i32, %arg2: memref<1024xf32, #tpu.memory_space<hbm>>, %arg3: memref<1024xf32, #tpu.memory_space<hbm>>, %arg4: memref<4096xi32, #tpu.memory_space<hbm>>, %arg5: memref<4096xf32, #tpu.memory_space<hbm>>, %arg6: memref<4096xf32, #tpu.memory_space<hbm>>, %arg7: memref<128xi32, #tpu.memory_space<vmem>>, %arg8: memref<1024xf32, #tpu.memory_space<vmem>>, %arg9: memref<1024xf32, #tpu.memory_space<vmem>>, %arg10: memref<128xf32, #tpu.memory_space<vmem>>, %arg11: memref<128xf32, #tpu.memory_space<vmem>>) attributes {dimension_semantics = [#tpu.dimension_semantics<core_parallel>, #tpu.dimension_semantics<subcore_parallel>], iteration_bounds = array<i64: 2, 16>, scalar_prefetch = 0 : i64, scratch_operands = 5 : i64, tpu.core_type = #tpu.core_type<sc_vector_subcore>, window_params = [{transform_indices = #map}, {transform_indices = #map}, {transform_indices = #map}, {transform_indices = #map}, {transform_indices = #map}]} {
    %mul3A = arith.constant 2 : i32
    %mul3A_0 = arith.muli %arg1, %mul3A : i32
    %add3A = arith.addi %mul3A_0, %arg0 : i32
    %mul3A_1 = arith.constant 128 : i32
    %mul3A_2 = arith.muli %add3A, %mul3A_1 : i32
    "tpu.region"() ({
      %run_scoped3A = tpu.sem_alloc : memref<!tpu.dma_semaphore, #tpu.memory_space<semaphore_mem>>
      tpu.enqueue_dma source(%arg2 : memref<1024xf32, #tpu.memory_space<hbm>>) target(%arg8 : memref<1024xf32, #tpu.memory_space<vmem>>) target_semaphore(%run_scoped3A : memref<!tpu.dma_semaphore, #tpu.memory_space<semaphore_mem>>)
      tpu.wait_dma2 semaphore(%run_scoped3A : memref<!tpu.dma_semaphore, #tpu.memory_space<semaphore_mem>>) src(%arg2 : memref<1024xf32, #tpu.memory_space<hbm>>) dst(%arg8 : memref<1024xf32, #tpu.memory_space<vmem>>)
      tpu.yield
    }) : () -> ()
    "tpu.region"() ({
      %run_scoped3A = tpu.sem_alloc : memref<!tpu.dma_semaphore, #tpu.memory_space<semaphore_mem>>
      tpu.enqueue_dma source(%arg3 : memref<1024xf32, #tpu.memory_space<hbm>>) target(%arg9 : memref<1024xf32, #tpu.memory_space<vmem>>) target_semaphore(%run_scoped3A : memref<!tpu.dma_semaphore, #tpu.memory_space<semaphore_mem>>)
      tpu.wait_dma2 semaphore(%run_scoped3A : memref<!tpu.dma_semaphore, #tpu.memory_space<semaphore_mem>>) src(%arg3 : memref<1024xf32, #tpu.memory_space<hbm>>) dst(%arg9 : memref<1024xf32, #tpu.memory_space<vmem>>)
      tpu.yield
    }) : () -> ()
    "tpu.region"() ({
      %run_scoped3A = tpu.sem_alloc : memref<!tpu.dma_semaphore, #tpu.memory_space<semaphore_mem>>
      %dma_start3A = tpu.memref_slice %arg4[%mul3A_2] : memref<4096xi32, #tpu.memory_space<hbm>> -> memref<128xi32, #tpu.memory_space<hbm>>
      %dma_start3A_64 = tpu.memref_slice %arg4[%mul3A_2] : memref<4096xi32, #tpu.memory_space<hbm>> -> memref<128xi32, #tpu.memory_space<hbm>>
      tpu.enqueue_dma source(%dma_start3A_64 : memref<128xi32, #tpu.memory_space<hbm>>) target(%arg7 : memref<128xi32, #tpu.memory_space<vmem>>) target_semaphore(%run_scoped3A : memref<!tpu.dma_semaphore, #tpu.memory_space<semaphore_mem>>)
      %dma_wait3A = tpu.memref_slice %arg4[%mul3A_2] : memref<4096xi32, #tpu.memory_space<hbm>> -> memref<128xi32, #tpu.memory_space<hbm>>
      %dma_wait3A_65 = tpu.memref_slice %arg4[%mul3A_2] : memref<4096xi32, #tpu.memory_space<hbm>> -> memref<128xi32, #tpu.memory_space<hbm>>
      tpu.wait_dma2 semaphore(%run_scoped3A : memref<!tpu.dma_semaphore, #tpu.memory_space<semaphore_mem>>) src(%dma_wait3A_65 : memref<128xi32, #tpu.memory_space<hbm>>) dst(%arg7 : memref<128xi32, #tpu.memory_space<vmem>>)
      tpu.yield
    }) : () -> ()
    %get3A = arith.constant 0 : index
    %get3A_3 = tpu.vector_load %arg7[%get3A] {strides = array<i32>} : memref<128xi32, #tpu.memory_space<vmem>>, vector<16xi32>,
    %gather3A = tpu.vector_load_idx %arg8[%get3A_3] : memref<1024xf32, #tpu.memory_space<vmem>>[vector<16xi32>], vector<16xf32>,
    %swap3A = arith.constant 0 : index
    %swap3A_4 = tpu.vector_load %arg10[%swap3A] {strides = array<i32>} : memref<128xf32, #tpu.memory_space<vmem>>, vector<16xf32>,
    tpu.vector_store %arg10[%swap3A], %gather3A {strides = array<i32>} : memref<128xf32, #tpu.memory_space<vmem>>, vector<16xf32>,
    %gather3A_5 = tpu.vector_load_idx %arg9[%get3A_3] : memref<1024xf32, #tpu.memory_space<vmem>>[vector<16xi32>], vector<16xf32>,
    %swap3A_6 = arith.constant 0 : index
    %swap3A_7 = tpu.vector_load %arg11[%swap3A_6] {strides = array<i32>} : memref<128xf32, #tpu.memory_space<vmem>>, vector<16xf32>,
    tpu.vector_store %arg11[%swap3A_6], %gather3A_5 {strides = array<i32>} : memref<128xf32, #tpu.memory_space<vmem>>, vector<16xf32>,
    %get3A_8 = arith.constant 16 : index
    %get3A_9 = tpu.vector_load %arg7[%get3A_8] {strides = array<i32>} : memref<128xi32, #tpu.memory_space<vmem>>, vector<16xi32>,
    %gather3A_10 = tpu.vector_load_idx %arg8[%get3A_9] : memref<1024xf32, #tpu.memory_space<vmem>>[vector<16xi32>], vector<16xf32>,
    %swap3A_11 = arith.constant 16 : index
    %swap3A_12 = tpu.vector_load %arg10[%swap3A_11] {strides = array<i32>} : memref<128xf32, #tpu.memory_space<vmem>>, vector<16xf32>,
    tpu.vector_store %arg10[%swap3A_11], %gather3A_10 {strides = array<i32>} : memref<128xf32, #tpu.memory_space<vmem>>, vector<16xf32>,
    %gather3A_13 = tpu.vector_load_idx %arg9[%get3A_9] : memref<1024xf32, #tpu.memory_space<vmem>>[vector<16xi32>], vector<16xf32>,
    %swap3A_14 = arith.constant 16 : index
    %swap3A_15 = tpu.vector_load %arg11[%swap3A_14] {strides = array<i32>} : memref<128xf32, #tpu.memory_space<vmem>>, vector<16xf32>,
    tpu.vector_store %arg11[%swap3A_14], %gather3A_13 {strides = array<i32>} : memref<128xf32, #tpu.memory_space<vmem>>, vector<16xf32>,
    %get3A_16 = arith.constant 32 : index
    %get3A_17 = tpu.vector_load %arg7[%get3A_16] {strides = array<i32>} : memref<128xi32, #tpu.memory_space<vmem>>, vector<16xi32>,
    %gather3A_18 = tpu.vector_load_idx %arg8[%get3A_17] : memref<1024xf32, #tpu.memory_space<vmem>>[vector<16xi32>], vector<16xf32>,
    %swap3A_19 = arith.constant 32 : index
    %swap3A_20 = tpu.vector_load %arg10[%swap3A_19] {strides = array<i32>} : memref<128xf32, #tpu.memory_space<vmem>>, vector<16xf32>,
    tpu.vector_store %arg10[%swap3A_19], %gather3A_18 {strides = array<i32>} : memref<128xf32, #tpu.memory_space<vmem>>, vector<16xf32>,
    %gather3A_21 = tpu.vector_load_idx %arg9[%get3A_17] : memref<1024xf32, #tpu.memory_space<vmem>>[vector<16xi32>], vector<16xf32>,
    %swap3A_22 = arith.constant 32 : index
    %swap3A_23 = tpu.vector_load %arg11[%swap3A_22] {strides = array<i32>} : memref<128xf32, #tpu.memory_space<vmem>>, vector<16xf32>,
    tpu.vector_store %arg11[%swap3A_22], %gather3A_21 {strides = array<i32>} : memref<128xf32, #tpu.memory_space<vmem>>, vector<16xf32>,
    %get3A_24 = arith.constant 48 : index
    %get3A_25 = tpu.vector_load %arg7[%get3A_24] {strides = array<i32>} : memref<128xi32, #tpu.memory_space<vmem>>, vector<16xi32>,
    %gather3A_26 = tpu.vector_load_idx %arg8[%get3A_25] : memref<1024xf32, #tpu.memory_space<vmem>>[vector<16xi32>], vector<16xf32>,
    %swap3A_27 = arith.constant 48 : index
    %swap3A_28 = tpu.vector_load %arg10[%swap3A_27] {strides = array<i32>} : memref<128xf32, #tpu.memory_space<vmem>>, vector<16xf32>,
    tpu.vector_store %arg10[%swap3A_27], %gather3A_26 {strides = array<i32>} : memref<128xf32, #tpu.memory_space<vmem>>, vector<16xf32>,
    %gather3A_29 = tpu.vector_load_idx %arg9[%get3A_25] : memref<1024xf32, #tpu.memory_space<vmem>>[vector<16xi32>], vector<16xf32>,
    %swap3A_30 = arith.constant 48 : index
    %swap3A_31 = tpu.vector_load %arg11[%swap3A_30] {strides = array<i32>} : memref<128xf32, #tpu.memory_space<vmem>>, vector<16xf32>,
    tpu.vector_store %arg11[%swap3A_30], %gather3A_29 {strides = array<i32>} : memref<128xf32, #tpu.memory_space<vmem>>, vector<16xf32>,
    %get3A_32 = arith.constant 64 : index
    %get3A_33 = tpu.vector_load %arg7[%get3A_32] {strides = array<i32>} : memref<128xi32, #tpu.memory_space<vmem>>, vector<16xi32>,
    %gather3A_34 = tpu.vector_load_idx %arg8[%get3A_33] : memref<1024xf32, #tpu.memory_space<vmem>>[vector<16xi32>], vector<16xf32>,
    %swap3A_35 = arith.constant 64 : index
    %swap3A_36 = tpu.vector_load %arg10[%swap3A_35] {strides = array<i32>} : memref<128xf32, #tpu.memory_space<vmem>>, vector<16xf32>,
    tpu.vector_store %arg10[%swap3A_35], %gather3A_34 {strides = array<i32>} : memref<128xf32, #tpu.memory_space<vmem>>, vector<16xf32>,
    %gather3A_37 = tpu.vector_load_idx %arg9[%get3A_33] : memref<1024xf32, #tpu.memory_space<vmem>>[vector<16xi32>], vector<16xf32>,
    %swap3A_38 = arith.constant 64 : index
    %swap3A_39 = tpu.vector_load %arg11[%swap3A_38] {strides = array<i32>} : memref<128xf32, #tpu.memory_space<vmem>>, vector<16xf32>,
    tpu.vector_store %arg11[%swap3A_38], %gather3A_37 {strides = array<i32>} : memref<128xf32, #tpu.memory_space<vmem>>, vector<16xf32>,
    %get3A_40 = arith.constant 80 : index
    %get3A_41 = tpu.vector_load %arg7[%get3A_40] {strides = array<i32>} : memref<128xi32, #tpu.memory_space<vmem>>, vector<16xi32>,
    %gather3A_42 = tpu.vector_load_idx %arg8[%get3A_41] : memref<1024xf32, #tpu.memory_space<vmem>>[vector<16xi32>], vector<16xf32>,
    %swap3A_43 = arith.constant 80 : index
    %swap3A_44 = tpu.vector_load %arg10[%swap3A_43] {strides = array<i32>} : memref<128xf32, #tpu.memory_space<vmem>>, vector<16xf32>,
    tpu.vector_store %arg10[%swap3A_43], %gather3A_42 {strides = array<i32>} : memref<128xf32, #tpu.memory_space<vmem>>, vector<16xf32>,
    %gather3A_45 = tpu.vector_load_idx %arg9[%get3A_41] : memref<1024xf32, #tpu.memory_space<vmem>>[vector<16xi32>], vector<16xf32>,
    %swap3A_46 = arith.constant 80 : index
    %swap3A_47 = tpu.vector_load %arg11[%swap3A_46] {strides = array<i32>} : memref<128xf32, #tpu.memory_space<vmem>>, vector<16xf32>,
    tpu.vector_store %arg11[%swap3A_46], %gather3A_45 {strides = array<i32>} : memref<128xf32, #tpu.memory_space<vmem>>, vector<16xf32>,
    %get3A_48 = arith.constant 96 : index
    %get3A_49 = tpu.vector_load %arg7[%get3A_48] {strides = array<i32>} : memref<128xi32, #tpu.memory_space<vmem>>, vector<16xi32>,
    %gather3A_50 = tpu.vector_load_idx %arg8[%get3A_49] : memref<1024xf32, #tpu.memory_space<vmem>>[vector<16xi32>], vector<16xf32>,
    %swap3A_51 = arith.constant 96 : index
    %swap3A_52 = tpu.vector_load %arg10[%swap3A_51] {strides = array<i32>} : memref<128xf32, #tpu.memory_space<vmem>>, vector<16xf32>,
    tpu.vector_store %arg10[%swap3A_51], %gather3A_50 {strides = array<i32>} : memref<128xf32, #tpu.memory_space<vmem>>, vector<16xf32>,
    %gather3A_53 = tpu.vector_load_idx %arg9[%get3A_49] : memref<1024xf32, #tpu.memory_space<vmem>>[vector<16xi32>], vector<16xf32>,
    %swap3A_54 = arith.constant 96 : index
    %swap3A_55 = tpu.vector_load %arg11[%swap3A_54] {strides = array<i32>} : memref<128xf32, #tpu.memory_space<vmem>>, vector<16xf32>,
    tpu.vector_store %arg11[%swap3A_54], %gather3A_53 {strides = array<i32>} : memref<128xf32, #tpu.memory_space<vmem>>, vector<16xf32>,
    %get3A_56 = arith.constant 112 : index
    %get3A_57 = tpu.vector_load %arg7[%get3A_56] {strides = array<i32>} : memref<128xi32, #tpu.memory_space<vmem>>, vector<16xi32>,
    %gather3A_58 = tpu.vector_load_idx %arg8[%get3A_57] : memref<1024xf32, #tpu.memory_space<vmem>>[vector<16xi32>], vector<16xf32>,
    %swap3A_59 = arith.constant 112 : index
    %swap3A_60 = tpu.vector_load %arg10[%swap3A_59] {strides = array<i32>} : memref<128xf32, #tpu.memory_space<vmem>>, vector<16xf32>,
    tpu.vector_store %arg10[%swap3A_59], %gather3A_58 {strides = array<i32>} : memref<128xf32, #tpu.memory_space<vmem>>, vector<16xf32>,
    %gather3A_61 = tpu.vector_load_idx %arg9[%get3A_57] : memref<1024xf32, #tpu.memory_space<vmem>>[vector<16xi32>], vector<16xf32>,
    %swap3A_62 = arith.constant 112 : index
    %swap3A_63 = tpu.vector_load %arg11[%swap3A_62] {strides = array<i32>} : memref<128xf32, #tpu.memory_space<vmem>>, vector<16xf32>,
    tpu.vector_store %arg11[%swap3A_62], %gather3A_61 {strides = array<i32>} : memref<128xf32, #tpu.memory_space<vmem>>, vector<16xf32>,
    "tpu.region"() ({
      %run_scoped3A = tpu.sem_alloc : memref<!tpu.dma_semaphore, #tpu.memory_space<semaphore_mem>>
      %dma_start3A = tpu.memref_slice %arg5[%mul3A_2] : memref<4096xf32, #tpu.memory_space<hbm>> -> memref<128xf32, #tpu.memory_space<hbm>>
      %dma_start3A_64 = tpu.memref_slice %arg5[%mul3A_2] : memref<4096xf32, #tpu.memory_space<hbm>> -> memref<128xf32, #tpu.memory_space<hbm>>
      tpu.enqueue_dma source(%arg10 : memref<128xf32, #tpu.memory_space<vmem>>) target(%dma_start3A_64 : memref<128xf32, #tpu.memory_space<hbm>>) target_semaphore(%run_scoped3A : memref<!tpu.dma_semaphore, #tpu.memory_space<semaphore_mem>>)
      %dma_wait3A = tpu.memref_slice %arg5[%mul3A_2] : memref<4096xf32, #tpu.memory_space<hbm>> -> memref<128xf32, #tpu.memory_space<hbm>>
      %dma_wait3A_65 = tpu.memref_slice %arg5[%mul3A_2] : memref<4096xf32, #tpu.memory_space<hbm>> -> memref<128xf32, #tpu.memory_space<hbm>>
      tpu.wait_dma2 semaphore(%run_scoped3A : memref<!tpu.dma_semaphore, #tpu.memory_space<semaphore_mem>>) src(%arg10 : memref<128xf32, #tpu.memory_space<vmem>>) dst(%dma_wait3A_65 : memref<128xf32, #tpu.memory_space<hbm>>)
      tpu.yield
    }) : () -> ()
    "tpu.region"() ({
      %run_scoped3A = tpu.sem_alloc : memref<!tpu.dma_semaphore, #tpu.memory_space<semaphore_mem>>
      %dma_start3A = tpu.memref_slice %arg6[%mul3A_2] : memref<4096xf32, #tpu.memory_space<hbm>> -> memref<128xf32, #tpu.memory_space<hbm>>
      %dma_start3A_64 = tpu.memref_slice %arg6[%mul3A_2] : memref<4096xf32, #tpu.memory_space<hbm>> -> memref<128xf32, #tpu.memory_space<hbm>>
      tpu.enqueue_dma source(%arg11 : memref<128xf32, #tpu.memory_space<vmem>>) target(%dma_start3A_64 : memref<128xf32, #tpu.memory_space<hbm>>) target_semaphore(%run_scoped3A : memref<!tpu.dma_semaphore, #tpu.memory_space<semaphore_mem>>)
      %dma_wait3A = tpu.memref_slice %arg6[%mul3A_2] : memref<4096xf32, #tpu.memory_space<hbm>> -> memref<128xf32, #tpu.memory_space<hbm>>
      %dma_wait3A_65 = tpu.memref_slice %arg6[%mul3A_2] : memref<4096xf32, #tpu.memory_space<hbm>> -> memref<128xf32, #tpu.memory_space<hbm>>
      tpu.wait_dma2 semaphore(%run_scoped3A : memref<!tpu.dma_semaphore, #tpu.memory_space<semaphore_mem>>) src(%arg11 : memref<128xf32, #tpu.memory_space<vmem>>) dst(%dma_wait3A_65 : memref<128xf32, #tpu.memory_space<hbm>>)
      tpu.yield
    }) : () -> ()
    return
  }
}

module attributes {stable_mosaic.version = 14 : i64} {
  func.func @_sqrt_tables_kernel(%arg0: memref<1x1024xf32, #tpu.memory_space<vmem>>, %arg1: memref<2x1024xf32, #tpu.memory_space<vmem>>) attributes {dimension_semantics = [], scalar_prefetch = 0 : i64, scratch_operands = 0 : i64, tpu.core_type = #tpu.core_type<tc>} {
    %get3A = arith.constant 0 : index
    %get3A_0 = arith.constant 0 : index
    %get3A_1 = vector.load %arg0[%get3A, %get3A_0] : memref<1x1024xf32, #tpu.memory_space<vmem>>, vector<1x1024xf32>
    %sqrt3A = math.sqrt %get3A_1 : vector<1x1024xf32>
    %swap3A = arith.constant 0 : index
    %swap3A_2 = arith.constant 0 : index
    %swap3A_3 = vector.load %arg1[%swap3A, %swap3A_2] : memref<2x1024xf32, #tpu.memory_space<vmem>>, vector<1x1024xf32>
    tpu.vector_store %arg1[%swap3A, %swap3A_2], %sqrt3A {strides = array<i32>} : memref<2x1024xf32, #tpu.memory_space<vmem>>, vector<1x1024xf32>,
    %sub3A = arith.constant 1.000000e+00 : f32
    %sub3A_4 = vector.broadcast %sub3A : f32 to vector<1x1024xf32>
    %sub3A_5 = arith.subf %sub3A_4, %get3A_1 : vector<1x1024xf32>
    %max3A = arith.constant 0.000000e+00 : f32
    %max3A_6 = vector.broadcast %max3A : f32 to vector<1x1024xf32>
    %max3A_7 = arith.maximumf %sub3A_5, %max3A_6 : vector<1x1024xf32>
    %sqrt3A_8 = math.sqrt %max3A_7 : vector<1x1024xf32>
    %swap3A_9 = arith.constant 1 : index
    %swap3A_10 = arith.constant 0 : index
    %swap3A_11 = vector.load %arg1[%swap3A_9, %swap3A_10] : memref<2x1024xf32, #tpu.memory_space<vmem>>, vector<1x1024xf32>
    tpu.vector_store %arg1[%swap3A_9, %swap3A_10], %sqrt3A_8 {strides = array<i32>} : memref<2x1024xf32, #tpu.memory_space<vmem>>, vector<1x1024xf32>,
    return
  }
}

module attributes {stable_mosaic.version = 14 : i64} {
  func.func @_scale_kernel(%arg0: i32, %arg1: memref<64x1xf32, #tpu.memory_space<vmem>>, %arg2: memref<64x1xf32, #tpu.memory_space<vmem>>, %arg3: memref<64x12800xf32, #tpu.memory_space<vmem>>, %arg4: memref<64x12800xf32, #tpu.memory_space<vmem>>, %arg5: memref<64x12800xf32, #tpu.memory_space<vmem>>) attributes {dimension_semantics = [#tpu.dimension_semantics<parallel>], iteration_bounds = array<i64: 64>, scalar_prefetch = 0 : i64, scratch_operands = 0 : i64, tpu.core_type = #tpu.core_type<tc>, window_params = [{transform_indices = @transform_0, window_bounds = array<i64: 64, 1>}, {transform_indices = @transform_1, window_bounds = array<i64: 64, 1>}, {transform_indices = @transform_2, window_bounds = array<i64: 64, 12800>}, {transform_indices = @transform_3, window_bounds = array<i64: 64, 12800>}, {transform_indices = @transform_4, window_bounds = array<i64: 64, 12800>}]} {
    %get3A = arith.constant 0 : index
    %get3A_0 = arith.constant 0 : index
    %get3A_1 = vector.load %arg1[%get3A, %get3A_0] : memref<64x1xf32, #tpu.memory_space<vmem>>, vector<64x1xf32>
    %get3A_2 = arith.constant 0 : index
    %get3A_3 = arith.constant 0 : index
    %get3A_4 = vector.load %arg3[%get3A_2, %get3A_3] : memref<64x12800xf32, #tpu.memory_space<vmem>>, vector<64x12800xf32>
    %mul3A = vector.broadcast %get3A_1 : vector<64x1xf32> to vector<64x12800xf32>
    %mul3A_5 = arith.mulf %mul3A, %get3A_4 : vector<64x12800xf32>
    %get3A_6 = arith.constant 0 : index
    %get3A_7 = arith.constant 0 : index
    %get3A_8 = vector.load %arg2[%get3A_6, %get3A_7] : memref<64x1xf32, #tpu.memory_space<vmem>>, vector<64x1xf32>
    %get3A_9 = arith.constant 0 : index
    %get3A_10 = arith.constant 0 : index
    %get3A_11 = vector.load %arg4[%get3A_9, %get3A_10] : memref<64x12800xf32, #tpu.memory_space<vmem>>, vector<64x12800xf32>
    %mul3A_12 = vector.broadcast %get3A_8 : vector<64x1xf32> to vector<64x12800xf32>
    %mul3A_13 = arith.mulf %mul3A_12, %get3A_11 : vector<64x12800xf32>
    %add3A = arith.addf %mul3A_5, %mul3A_13 : vector<64x12800xf32>
    %swap3A = arith.constant 0 : index
    %swap3A_14 = arith.constant 0 : index
    %swap3A_15 = vector.load %arg5[%swap3A, %swap3A_14] : memref<64x12800xf32, #tpu.memory_space<vmem>>, vector<64x12800xf32>
    tpu.vector_store %arg5[%swap3A, %swap3A_14], %add3A {strides = array<i32>} : memref<64x12800xf32, #tpu.memory_space<vmem>>, vector<64x12800xf32>,
    return
  }
  func.func @transform_0(%arg0: i32) -> (i32, i32) {
    %c0_i32 = arith.constant 0 : i32
    %c0_i32_0 = arith.constant 0 : i32
    return %arg0, %c0_i32 : i32, i32
  }
  func.func @transform_1(%arg0: i32) -> (i32, i32) {
    %c0_i32 = arith.constant 0 : i32
    %c0_i32_0 = arith.constant 0 : i32
    return %arg0, %c0_i32 : i32, i32
  }
  func.func @transform_2(%arg0: i32) -> (i32, i32) {
    %c0_i32 = arith.constant 0 : i32
    %c0_i32_0 = arith.constant 0 : i32
    return %arg0, %c0_i32 : i32, i32
  }
  func.func @transform_3(%arg0: i32) -> (i32, i32) {
    %c0_i32 = arith.constant 0 : i32
    %c0_i32_0 = arith.constant 0 : i32
    return %arg0, %c0_i32 : i32, i32
  }
  func.func @transform_4(%arg0: i32) -> (i32, i32) {
    %c0_i32 = arith.constant 0 : i32
    %c0_i32_0 = arith.constant 0 : i32
    return %arg0, %c0_i32 : i32, i32
  }
}

</mosaic_0001>

<sc_bundles>
// kernel: kernel.5.cloned.1.call-start
scs
__scs_entry_jumppad:
0x0: {  	(pc) =	sbr.rel $0x88, $3  }
0x1: {  	(tag) =	ssettag $0x0;
	lr =	simm.s32 $0x1  }
0x2: {  	[smem:$0x3F9D] =	sst lr;
	_ =	strace $0xD0000000  }
0x3: {  	_ = 	snop  }
0x4: {  	_ = 	snop  }
0x5: {  	_ = 	snop  }
0x6: {  	_ = 	snop  }
0x7: {  	_ = 	snop  }
__scs_overlays_trampoline_lowered:
0x8: {  	[smem:$0x3FAC] =	sst s0  }
0x9: {  	[smem:$0x3FAD] =	sst s1  }
0xa: {  	[smem:$0x3FAE] =	sst s2  }
0xb: {  	[smem:$0x3FAF] =	sst s3  }
0xc: {  	[smem:$0x3FB0] =	sst s4  }
0xd: {  	[smem:$0x3FB1] =	sst s5  }
0xe: {  	[smem:$0x3FB2] =	sst s6  }
0xf: {  	[smem:$0x3FB3] =	sst s7  }
0x10: {  	[smem:$0x3FB4] =	sst s8  }
0x11: {  	[smem:$0x3FB5] =	sst s9;
	s0 =	simm.s32 @!p0 $0x0  }
0x12: {  	s1 =	sld [smem:$0x3F9B];
	s0 =	simm.s32 @p0 $0x1  }
0x13: {  	[smem:$0x3FB6] =	sst s0;
	s0 =	simm.s32 @!p1 $0x0  }
0x14: {  	s2 =	sld [smem:$0x3F9A];
	s0 =	simm.s32 @p1 $0x1  }
0x15: {  	[smem:$0x3FB7] =	sst s0;
	s0 =	simm.s32 @!p2 $0x0  }
0x16: {  	s3 =	sld [smem:$0x3FDB];
	s0 =	simm.s32 @p2 $0x1  }
0x17: {  	s4 =	simm.s32 $0x1BF5;
	[smem:$0x3FB9] =	sst s0  }
0x18: {  	s0 =	sld [smem:$0x3F9C];
	_ =	swait.ge [sflag:s4], $0x0  }
0x19: {  	s7 =	sld [smem:$0x3F9D]  }
0x1a: {  	s8 =	sadd.s32 $0xFFFFE003, lr  }
0x1b: {  	s9 =	sadd.s32 $0xFFFFFEF7, lr;
	s5 =	simm.s32 $0xFFFFFFFF;
	p2 =	slt.u32 s8, $0xFFFFF086  }
0x1c: {  	p1 =	slt.u32 s9, $0xF7A;
	s5 =	simm.s32 @!p2 $0x0  }
0x1d: {  	s5 =	simm.s32 @p1 $0x1;
	p0 =	seq.s32 s7, s2  }
0x1e: {  	s7 =	smul.u32 @!p0 $0xF7A, s2;
	p2 =	seq.s32 @!p0 s5, $0x0  }
0x1f: {  	s9 =	smul.u32 $0xF7A, s1;
	s8 =	simm.s32 @!p0 $0x1BF5;
	p2 =	por !p2, p0  }
0x20: {  	[sflag:s8] =	ssyncset.s32 @!p0 $0xFFFFF086;
	s6 =	sadd.s32 @!p0 s3, s7;
	s7 =	simm.s32 @!p0 $0x108  }
0x21: {  	s3 =	sadd.s32 s3, s9;
	s6 =	sadd.s32 @!p0 $0x88, s6;
	s7 =	simm.s32 @p2 $0x1082  }
0x22: {  	[simem:s7], [sflag:s8] =	dma.local @!p0 [hbm:s6], $0xF7A  }
0x23: {  	s9 =	sor.u32 $0xD0000000, s2;
	s6 =	simm.s32 $0x108;
	_ =	swait.ge @!p0 [sflag:s8], $0x0  }
0x24: {  	s3 =	sadd.s32 $0x88, s3;
	s6 =	simm.s32 @!p1 $0x1082;
	[sflag:s4] =	ssyncset.s32 $0xFFFFF086  }
0x25: {  	[simem:s6], [sflag:s4] =	dma.local [hbm:s3], $0xF7A  }
0x26: {  	[smem:$0x3F9D] =	sst s1;
	(tag) =	ssettag s2;
	_ =	strace s9  }
0x27: {  	s1 =	sld [smem:$0x3FAD]  }
0x28: {  	s2 =	sld [smem:$0x3FAE]  }
0x29: {  	s4 =	sld [smem:$0x3FB0]  }
0x2a: {  	p0 =	seq.s32 s5, $0x0;
	s5 =	sld [smem:$0x3FB1]  }
0x2b: {  	s6 =	sld [smem:$0x3FB2]  }
0x2c: {  	s7 =	sld [smem:$0x3FB3]  }
0x2d: {  	s3 =	simm.s32 $0x108;
	s8 =	sld [smem:$0x3FB4]  }
0x2e: {  	s3 =	simm.s32 @!p0 $0x1082;
	s9 =	sld [smem:$0x3FB5]  }
0x2f: {  	lr =	sadd.s32 s0, s3;
	s0 =	sld [smem:$0x3FAC]  }
0x30: {  	s3 =	sld [smem:$0x3FAF]  }
0x31: {  	[smem:$0x3FB8] =	sst s10  }
0x32: {  	s10 =	sld [smem:$0x3FB6];
	_ =	sdelay $0x3  }
0x33: {  	p0 =	seq.s32 s10, $0x1;
	s10 =	sld [smem:$0x3FB8];
	_ =	sdelay $0x3  }
0x34: {  	[smem:$0x3FB8] =	sst s10  }
0x35: {  	s10 =	sld [smem:$0x3FB7];
	_ =	sdelay $0x3  }
0x36: {  	p1 =	seq.s32 s10, $0x1;
	s10 =	sld [smem:$0x3FB8];
	_ =	sdelay $0x3  }
0x37: {  	[smem:$0x3FB8] =	sst s10  }
0x38: {  	s10 =	sld [smem:$0x3FB9]  }
0x39: {  	_ = 	snop;
	(pc) =	sbr.ind lr, $3  }
0x3a: {  	_ = 	snop  }
0x3b: {  	_ = 	snop  }
0x3c: {  	p2 =	seq.s32 s10, $0x1;
	s10 =	sld [smem:$0x3FB8]  }
0x3d: {  	_ =	shalt  }
0x3e: {  	_ =	shalt  }
0x3f: {  	_ =	shalt  }
0x40: {  	_ =	shalt  }
0x41: {  	_ =	shalt  }
0x42: {  	_ =	shalt  }
0x43: {  	_ =	shalt  }
0x44: {  	_ =	shalt  }
0x45: {  	_ =	shalt  }
0x46: {  	_ =	shalt  }
0x47: {  	_ =	shalt  }
0x48: {  	_ =	shalt  }
0x49: {  	_ =	shalt  }
0x4a: {  	_ =	shalt  }
0x4b: {  	_ =	shalt  }
0x4c: {  	_ =	shalt  }
0x4d: {  	_ =	shalt  }
0x4e: {  	_ =	shalt  }
0x4f: {  	_ =	shalt  }
0x50: {  	_ =	shalt  }
0x51: {  	_ =	shalt  }
0x52: {  	_ =	shalt  }
0x53: {  	_ =	shalt  }
0x54: {  	_ =	shalt  }
0x55: {  	_ =	shalt  }
0x56: {  	_ =	shalt  }
0x57: {  	_ =	shalt  }
0x58: {  	_ =	shalt  }
0x59: {  	_ =	shalt  }
0x5a: {  	_ =	shalt  }
0x5b: {  	_ =	shalt  }
0x5c: {  	_ =	shalt  }
0x5d: {  	_ =	shalt  }
0x5e: {  	_ =	shalt  }
0x5f: {  	_ =	shalt  }
0x60: {  	_ =	shalt  }
0x61: {  	_ =	shalt  }
0x62: {  	_ =	shalt  }
0x63: {  	_ =	shalt  }
0x64: {  	_ =	shalt  }
0x65: {  	_ =	shalt  }
0x66: {  	_ =	shalt  }
0x67: {  	_ =	shalt  }
0x68: {  	_ =	shalt  }
0x69: {  	_ =	shalt  }
0x6a: {  	_ =	shalt  }
0x6b: {  	_ =	shalt  }
0x6c: {  	_ =	shalt  }
0x6d: {  	_ =	shalt  }
0x6e: {  	_ =	shalt  }
0x6f: {  	_ =	shalt  }
0x70: {  	_ =	shalt  }
0x71: {  	_ =	shalt  }
0x72: {  	_ =	shalt  }
0x73: {  	_ =	shalt  }
0x74: {  	_ =	shalt  }
0x75: {  	_ =	shalt  }
0x76: {  	_ =	shalt  }
0x77: {  	_ =	shalt  }
0x78: {  	_ =	shalt  }
0x79: {  	_ =	shalt  }
0x7a: {  	_ =	shalt  }
0x7b: {  	_ =	shalt  }
0x7c: {  	_ =	shalt  }
0x7d: {  	_ =	shalt  }
0x7e: {  	_ =	shalt  }
0x7f: {  	_ =	shalt  }
0x80: {  	_ =	shalt  }
0x81: {  	_ =	shalt  }
0x82: {  	_ =	shalt  }
0x83: {  	_ =	shalt  }
0x84: {  	_ =	shalt  }
0x85: {  	_ =	shalt  }
0x86: {  	_ =	shalt  }
0x87: {  	_ =	shalt  }
.Lfunc_end0:
.L_simem_size_0:
called_computation_lowered:
.L_overlay_start_0:
0x88: {  	s2 =	sld [smem:$0x3FD9]  }
0x89: {  	s3 =	sld [smem:$0x3FFE];
	_ =	sdelay $0x1  }
0x8a: {  	s1 =	srdreg.scid  }
0x8b: {  	s0 =	sand.u32 $0x1, s1  }
0x8c: {  	s17 =	sshll.u32 s0, $0xA;
	s2 =	sadd.s32 s3, s2  }
0x8d: {  	s2 =	sadd.s32 s2, s17  }
0x8e: {  	[smem:$0x3FC4] =	sst s2  }
0x8f: {  	_ = 	snop  }
0x90: {  	s2 =	sld [smem:$0x3FC8];
	(tm) =	ssettm $0x1  }
0x91: {  	s18 =	sld [smem:$0x3FFB];
	_ =	sdelay $0x3  }
0x92: {  	_ =	strace s18  }
0x93: {  	s3 =	sld [smem:$0x3FFC];
	_ =	sdelay $0x3  }
0x94: {  	_ =	strace s3  }
0x95: {  	s3 =	sld [smem:$0x3FFD];
	_ =	sdelay $0x3  }
0x96: {  	_ =	strace s3  }
0x97: {  	_ =	strace $0x8FFFFFFF  }
0x98: {  	s19 =	sld [smem:$0x3FDB];
	_ =	sdelay $0x1  }
0x99: {  	s4 =	simm.s32 $_scs_section_size  }
0x9a: {  	s5 =	simm.s32 $_size__tile_overlayer_lowered;
	s6 =	simm.s32 $_tile_overlayer_lowered  }
0x9b: {  	s22 =	simm.s32 $0x1BFF;
	s21 =	sshll.u32 s6, $0x1;
	s3 =	sadd.s32 s4, s19  }
0x9c: {  	s7 =	simm.s32 $0x0;
	s20 =	sshll.u32 s5, $0x1;
	s5 =	sadd.s32 s21, s3  }
0x9d: {  	[timem:s7], [sflag:s22] =	dma.local [hbm:s5], s20  }
0x9e: {  	_ =	swait.ge [sflag:s22], s20  }
0x9f: {  	s4 =	ssub.s32 $0x0, s20;
	[sflag:s22] =	ssyncset.done $0x0  }
0xa0: {  	[sflag:s22] =	ssyncadd.s32 s4;
	_ =	sdelay $0x1  }
0xa1: {  	s23 =	simm.s32 $0x1B8B  }
0xa2: {  	_ =	swait.ge [sflag:s23], $0x1  }
0xa3: {  	[sflag:s23] =	ssyncset.done $0x0  }
0xa4: {  	s25 =	simm.s32 $0x1B8E;
	s24 =	sld [smem:$0x3FFE];
	[sflag:s23] =	ssyncadd.s32 $0xFFFFFFFF  }
0xa5: {  	s26 =	simm.s32 $execute0_lowered;
	[smem:$0x3FD2] =	sst s25  }
0xa6: {  	s5 =	sshll.u32 s26, $0x1;
	_ =	strace $0x80000046;
	[dreg:$0x1] =	wrdreg $0xFFFFFFFF  }
0xa7: {  	s28 =	simm.s32 $_size_execute0_lowered;
	s3 =	sadd.s32 s3, s5;
	[dreg:$0x0] =	wrdreg $0x0  }
0xa8: {  	s5 =	sshll.u32 s28, $0x1;
	[dreg:$0x2] =	wrdreg s3  }
0xa9: {  	[dreg:$0x3] =	wrdreg s5  }
0xaa: {  	[dreg:$0x4] =	wrdreg $0xC0  }
0xab: {  	_ =	task [dreg:s7], $0x5FFFF  }
0xac: {  	[dreg:$0x1] =	wrdreg $0xFFFFFFFF  }
0xad: {  	[dreg:$0x0] =	wrdreg $0x60  }
0xae: {  	[dreg:$0x2] =	wrdreg s24  }
0xaf: {  	[dreg:$0x3] =	wrdreg s2  }
0xb0: {  	[dreg:$0x4] =	wrdreg $0x9  }
0xb1: {  	_ =	task.clear_ibuf [dreg:s7], $0x5FFFF;
	_ =	strace $0x90000046  }
0xb2: {  	s29 =	simm.s32 $0x9;
	_ =	strace $0x80000048  }
0xb3: {  	_ =	swait.ge [sflag:s29], $0x1  }
0xb4: {  	[sflag:s29] =	ssyncadd.s32 $0xFFFFFFFF  }
0xb5: {  	_ =	strace $0x90000048  }
0xb6: {  	_ =	sfence  }
0xb7: {  	s30 =	sld [smem:$0x0];
	_ =	sdelay $0x2  }
0xb8: {  	s31 =	sshll.u32 s1, $0xD;
	s1 =	sshrl.u32 s1, $0x2  }
0xb9: {  	s3 =	sand.u32 $0x4000, s31;
	s1 =	sadd.s32 s1, s30  }
0xba: {  	s0 =	sor.u32 s3, s0;
	s1 =	sshll.u32 s1, $0x11  }
0xbb: {  	s0 =	sor.u32 s1, s0  }
0xbc: {  	s0 =	sadd.s32 $0x8F2B, s0  }
0xbd: {  	[sflag:s0] =	ssyncadd.remote.s32 $0x1  }
0xbe: {  	_ =	sfence.sel $0xFFFF  }
0xbf: {  	[dreg:$0x0] =	wrdreg $0xFFFFFFFF;
	(pc) =	sbr.abs _section_cstart, $3  }
0xc0: {  	[dreg:$0x1] =	wrdreg $0xFFFFFFFF  }
0xc1: {  	_ =	task.clear_ibuf [dreg:s7], $0x2FFFF;
	_ =	strace $0x9FFFFFFF  }
0xc2: {  	(tm) =	ssettm $0x7FFFFFFF  }
0xc3: {  	_ =	shalt  }
tec
execute0_lowered:
.L_overlay_start_1:
0x0: {  	(tag) =	ssettag $0x1  }
0x1: {  	s9 =	rddreg [dreg:$0x0]  }
0x2: {  	s8 =	rddreg [dreg:$0x1]  }
0x3: {  	s0 =	rddreg [dreg:$0x2];
	s1 =	simm.s32 $0x0  }
0x4: {  	s4 =	simm.s32 $0x80;
	[smem:$0x7FF] =	sst s1  }
0x5: {  	s3 =	simm.s32 $0x1;
	s2 =	sadd.s32 $0xC00, s9;
	_ =	strace $0x80000047  }
0x6: {  	[tilespmem:s4], [sflag:$0x1] =	stream.linear.gather [hbm4b:s2+s1], $0x400, $0x38;
	[tilespmem:$0x980] =	vst v63  }
0x7: {  	s7 =	srdreg.scid;
	_ =	swait.ge [sflag:s3], $0x400  }
0x8: {  	s5 =	stileid.u32;
	s6 =	sadd.s32 $0xA00, s9;
	[sflag:s3] =	ssyncset.done $0x0  }
0x9: {  	s10 =	sand.u32 $0x1, s7;
	s7 =	simm.s32 $0x480;
	[sflag:s3] =	ssyncadd.s32 $0xFFFFFC00  }
0xa: {  	[tilespmem:s7], [sflag:$0x1] =	stream.linear.gather [hbm4b:s6+s1], $0x400, $0x38;
	[tilespmem:$0x980] =	vst v63  }
0xb: {  	s11 =	sshll.u32 s5, $0x5;
	s12 =	sshll.u32 s10, $0x4;
	_ =	swait.ge [sflag:s3], $0x400  }
0xc: {  	s11 =	sor.u32 s12, s11;
	[sflag:s3] =	ssyncset.done $0x0  }
0xd: {  	s8 =	sadd.s32 s8, s11;
	[sflag:s3] =	ssyncadd.s32 $0xFFFFFC00  }
0xe: {  	[tilespmem:s1], [sflag:$0x1] =	stream.linear.gather [hbm4b:s8+s1], $0x80, $0x38;
	[tilespmem:$0x980] =	vst v63  }
0xf: {  	_ =	swait.ge [sflag:s3], $0x80  }
0x10: {  	[sflag:s3] =	ssyncset.done $0x0  }
0x11: {  	[sflag:s3] =	ssyncadd.s32 $0xFFFFFF80  }
0x12: {  	v0 =	vld [tilespmem:$0x0];
	_ =	sdelay $0x7  }
0x13: {  	v1 =	vld.idx.msk [tilespmem:v0+s4+$0x0], $0xffff;
	_ =	sdelay $0x3  }
0x14: {  	v2 =	vld [tilespmem:$0x10]  }
0x15: {  	[tilespmem:$0x880] =	vst v1  }
0x16: {  	v0 =	vld.idx.msk [tilespmem:v0+s7+$0x0], $0xffff;
	_ =	sdelay $0x4  }
0x17: {  	[tilespmem:$0x900] =	vst v0  }
0x18: {  	v0 =	vld.idx.msk [tilespmem:v2+s4+$0x0], $0xffff;
	_ =	sdelay $0x3  }
0x19: {  	v58 =	vld [tilespmem:$0x20]  }
0x1a: {  	[tilespmem:$0x890] =	vst v0  }
0x1b: {  	v0 =	vld.idx.msk [tilespmem:v2+s7+$0x0], $0xffff;
	_ =	sdelay $0x4  }
0x1c: {  	[tilespmem:$0x910] =	vst v0  }
0x1d: {  	v0 =	vld.idx.msk [tilespmem:v58+s4+$0x0], $0xffff;
	_ =	sdelay $0x3  }
0x1e: {  	v59 =	vld [tilespmem:$0x30]  }
0x1f: {  	[tilespmem:$0x8A0] =	vst v0  }
0x20: {  	v0 =	vld.idx.msk [tilespmem:v58+s7+$0x0], $0xffff;
	_ =	sdelay $0x4  }
0x21: {  	[tilespmem:$0x920] =	vst v0  }
0x22: {  	v0 =	vld.idx.msk [tilespmem:v59+s4+$0x0], $0xffff;
	_ =	sdelay $0x3  }
0x23: {  	v60 =	vld [tilespmem:$0x40]  }
0x24: {  	[tilespmem:$0x8B0] =	vst v0  }
0x25: {  	v0 =	vld.idx.msk [tilespmem:v59+s7+$0x0], $0xffff;
	_ =	sdelay $0x4  }
0x26: {  	[tilespmem:$0x930] =	vst v0  }
0x27: {  	v0 =	vld.idx.msk [tilespmem:v60+s4+$0x0], $0xffff;
	_ =	sdelay $0x3  }
0x28: {  	v61 =	vld [tilespmem:$0x50]  }
0x29: {  	[tilespmem:$0x8C0] =	vst v0  }
0x2a: {  	v0 =	vld.idx.msk [tilespmem:v60+s7+$0x0], $0xffff;
	_ =	sdelay $0x4  }
0x2b: {  	[tilespmem:$0x940] =	vst v0  }
0x2c: {  	v0 =	vld.idx.msk [tilespmem:v61+s4+$0x0], $0xffff;
	_ =	sdelay $0x3  }
0x2d: {  	v62 =	vld [tilespmem:$0x60]  }
0x2e: {  	[tilespmem:$0x8D0] =	vst v0  }
0x2f: {  	v0 =	vld.idx.msk [tilespmem:v61+s7+$0x0], $0xffff;
	_ =	sdelay $0x4  }
0x30: {  	[tilespmem:$0x950] =	vst v0  }
0x31: {  	v0 =	vld.idx.msk [tilespmem:v62+s4+$0x0], $0xffff;
	_ =	sdelay $0x3  }
0x32: {  	v63 =	vld [tilespmem:$0x70]  }
0x33: {  	[tilespmem:$0x8E0] =	vst v0  }
0x34: {  	v0 =	vld.idx.msk [tilespmem:v62+s7+$0x0], $0xffff;
	_ =	sdelay $0x4  }
0x35: {  	[tilespmem:$0x960] =	vst v0  }
0x36: {  	v0 =	vld.idx.msk [tilespmem:v63+s4+$0x0], $0xffff;
	_ =	sdelay $0x4  }
0x37: {  	[tilespmem:$0x8F0] =	vst v0  }
0x38: {  	v0 =	vld.idx.msk [tilespmem:v63+s7+$0x0], $0xffff;
	_ =	sdelay $0x1  }
0x39: {  	s31 =	ssub.s32 $0x2, s10  }
0x3a: {  	s13 =	sshrl.u32 s31, $0x1  }
0x3b: {  	s11 =	sadd.s32 s11, s9;
	s12 =	ssub.s32 s31, s13  }
0x3c: {  	s10 =	simm.s32 $0x880;
	s9 =	sadd.s32 $0x1000, s11;
	s13 =	smax.u32 s12, $0x1;
	[tilespmem:$0x970] =	vst v0  }
0x3d: {  	[hbm4b:s9+s1] =	stream.linear.scatter [tilespmem:s10], [sflag:$0x1], $0x80, $0x38;
	[tilespmem:$0x980] =	vst v63  }
0x3e: {  	p0 =	sne.s32 s13, $0x1;
	_ =	swait.ge [sflag:s3], $0x80  }
.Ltmp0:
0x3f: {  	[sflag:s3] =	ssyncset.done $0x0;
	(pc) =	sbr.rel @!p0 .LBB2_2-.Ltmp0, $4  }
0x40: {  	s11 =	sadd.s32 $0xE00, s11;
	s12 =	simm.s32 $0x900;
	[sflag:s3] =	ssyncadd.s32 $0xFFFFFF80  }
0x41: {  	[hbm4b:s11+s1] =	stream.linear.scatter [tilespmem:s12], [sflag:$0x1], $0x80, $0x38;
	[tilespmem:$0x980] =	vst v63  }
0x42: {  	_ =	swait.ge [sflag:s3], $0x80  }
0x43: {  	s13 =	sadd.s32 $0xFFFFFFFF, s13;
	[sflag:s3] =	ssyncset.done $0x0  }
.LBB2_1:
0x44: {  	p0 =	sne.s32 s13, $0x1;
	s13 =	sadd.s32 $0xFFFFFFFF, s13;
	[sflag:s3] =	ssyncadd.s32 $0xFFFFFF80  }
0x45: {  	[tilespmem:s4], [sflag:$0x1] =	stream.linear.gather [hbm4b:s2+s1], $0x400, $0x38;
	[tilespmem:$0x980] =	vst v63  }
0x46: {  	_ =	swait.ge [sflag:s3], $0x400  }
0x47: {  	[sflag:s3] =	ssyncset.done $0x0  }
0x48: {  	[sflag:s3] =	ssyncadd.s32 $0xFFFFFC00  }
0x49: {  	[tilespmem:s7], [sflag:$0x1] =	stream.linear.gather [hbm4b:s6+s1], $0x400, $0x38;
	[tilespmem:$0x980] =	vst v63  }
0x4a: {  	_ =	swait.ge [sflag:s3], $0x400  }
0x4b: {  	[sflag:s3] =	ssyncset.done $0x0  }
0x4c: {  	[sflag:s3] =	ssyncadd.s32 $0xFFFFFC00  }
0x4d: {  	[tilespmem:s1], [sflag:$0x1] =	stream.linear.gather [hbm4b:s8+s1], $0x80, $0x38;
	[tilespmem:$0x980] =	vst v63  }
0x4e: {  	_ =	swait.ge [sflag:s3], $0x80  }
0x4f: {  	[sflag:s3] =	ssyncset.done $0x0  }
0x50: {  	[sflag:s3] =	ssyncadd.s32 $0xFFFFFF80  }
0x51: {  	v0 =	vld [tilespmem:$0x0];
	_ =	sdelay $0x7  }
0x52: {  	v1 =	vld.idx.msk [tilespmem:v0+s4+$0x0], $0xffff;
	_ =	sdelay $0x5  }
0x53: {  	[tilespmem:$0x880] =	vst v1;
	v1 =	vld [tilespmem:$0x10]  }
0x54: {  	v0 =	vld.idx.msk [tilespmem:v0+s7+$0x0], $0xffff;
	_ =	sdelay $0x5  }
0x55: {  	[tilespmem:$0x900] =	vst v0  }
0x56: {  	v0 =	vld.idx.msk [tilespmem:v1+s4+$0x0], $0xffff;
	_ =	sdelay $0x5  }
0x57: {  	[tilespmem:$0x890] =	vst v0;
	v0 =	vld [tilespmem:$0x20]  }
0x58: {  	v1 =	vld.idx.msk [tilespmem:v1+s7+$0x0], $0xffff;
	_ =	sdelay $0x5  }
0x59: {  	[tilespmem:$0x910] =	vst v1  }
0x5a: {  	v1 =	vld.idx.msk [tilespmem:v0+s4+$0x0], $0xffff;
	_ =	sdelay $0x5  }
0x5b: {  	[tilespmem:$0x8A0] =	vst v1;
	v1 =	vld [tilespmem:$0x30]  }
0x5c: {  	v0 =	vld.idx.msk [tilespmem:v0+s7+$0x0], $0xffff;
	_ =	sdelay $0x5  }
0x5d: {  	[tilespmem:$0x920] =	vst v0  }
0x5e: {  	v0 =	vld.idx.msk [tilespmem:v1+s4+$0x0], $0xffff;
	_ =	sdelay $0x5  }
0x5f: {  	[tilespmem:$0x8B0] =	vst v0;
	v0 =	vld [tilespmem:$0x40]  }
0x60: {  	v1 =	vld.idx.msk [tilespmem:v1+s7+$0x0], $0xffff;
	_ =	sdelay $0x5  }
0x61: {  	[tilespmem:$0x930] =	vst v1  }
0x62: {  	v1 =	vld.idx.msk [tilespmem:v0+s4+$0x0], $0xffff;
	_ =	sdelay $0x5  }
0x63: {  	[tilespmem:$0x8C0] =	vst v1;
	v1 =	vld [tilespmem:$0x50]  }
0x64: {  	v0 =	vld.idx.msk [tilespmem:v0+s7+$0x0], $0xffff;
	_ =	sdelay $0x5  }
0x65: {  	[tilespmem:$0x940] =	vst v0  }
0x66: {  	v0 =	vld.idx.msk [tilespmem:v1+s4+$0x0], $0xffff;
	_ =	sdelay $0x5  }
0x67: {  	[tilespmem:$0x8D0] =	vst v0;
	v0 =	vld [tilespmem:$0x60]  }
0x68: {  	v1 =	vld.idx.msk [tilespmem:v1+s7+$0x0], $0xffff;
	_ =	sdelay $0x5  }
0x69: {  	[tilespmem:$0x950] =	vst v1  }
0x6a: {  	v1 =	vld.idx.msk [tilespmem:v0+s4+$0x0], $0xffff;
	_ =	sdelay $0x5  }
0x6b: {  	[tilespmem:$0x8E0] =	vst v1;
	v1 =	vld [tilespmem:$0x70]  }
0x6c: {  	v0 =	vld.idx.msk [tilespmem:v0+s7+$0x0], $0xffff;
	_ =	sdelay $0x5  }
0x6d: {  	[tilespmem:$0x960] =	vst v0  }
0x6e: {  	v0 =	vld.idx.msk [tilespmem:v1+s4+$0x0], $0xffff;
	_ =	sdelay $0x5  }
0x6f: {  	[tilespmem:$0x8F0] =	vst v0  }
0x70: {  	v0 =	vld.idx.msk [tilespmem:v1+s7+$0x0], $0xffff;
	_ =	sdelay $0x5  }
0x71: {  	[tilespmem:$0x970] =	vst v0  }
0x72: {  	[hbm4b:s9+s1] =	stream.linear.scatter [tilespmem:s10], [sflag:$0x1], $0x80, $0x38;
	[tilespmem:$0x980] =	vst v63  }
0x73: {  	_ =	swait.ge [sflag:s3], $0x80  }
.Ltmp1:
0x74: {  	[sflag:s3] =	ssyncset.done $0x0;
	(pc) =	sbr.rel @p0 .LBB2_1-.Ltmp1, $4  }
0x75: {  	[sflag:s3] =	ssyncadd.s32 $0xFFFFFF80  }
0x76: {  	[hbm4b:s11+s1] =	stream.linear.scatter [tilespmem:s12], [sflag:$0x1], $0x80, $0x38;
	[tilespmem:$0x980] =	vst v63  }
0x77: {  	_ =	swait.ge [sflag:s3], $0x80  }
0x78: {  	[sflag:s3] =	ssyncset.done $0x0  }
.LBB2_2:
0x79: {  	[sflag:s3] =	ssyncadd.s32 $0xFFFFFF80  }
0x7a: {  	_ =	sfence.sel $0x180000  }
0x7b: {  	[bflag:$0x0] =	sbarrier.arrive $0xFFFF  }
0x7c: {  	p0 =	sne.s32 s5, $0x0;
	_ =	strace $0x90000047  }
0x7d: {  	s0 =	sadd.s32 @!p0 $0x100000, s0;
	[bflag:$0x2] =	sbarrier.arrive $0xFFFF  }
0x7e: {  	[sflag:s0] =	ssyncadd.tile.s32 @!p0 $0x1;
	_ =	shalt  }
.Lfunc_end2:
_tile_overlayer_lowered:
.L_overlay_start_2:
0x7f: {  	(tag) =	ssettag $0x2  }
0x80: {  	s0 =	rddreg [dreg:$0x0];
	s2 =	stileid.u32  }
0x81: {  	s1 =	rddreg [dreg:$0x1];
	p0 =	sne.s32 s2, $0x0  }
0x82: {  	s3 =	rddreg [dreg:$0x2];
	[bflag:$0x3] =	sbarrier.arrive $0xFFFF;
	s2 =	simm.s32 @!p0 $0x1C01  }
0x83: {  	[timem:s3], [sflag:s2] =	dma.local @!p0 [hbm:s0], s1  }
0x84: {  	s0 =	simm.s32 @!p0 $0x1  }
0x85: {  	_ =	swait.ge @!p0 [sflag:s0], s1  }
0x86: {  	s1 =	ssub.s32 @!p0 $0x0, s1;
	[sflag:s0] =	ssyncset.done @!p0 $0x0  }
0x87: {  	[sflag:s0] =	ssyncadd.s32 @!p0 s1  }
0x88: {  	[bflag:$0x3] =	sbarrier.arrive $0xFFFF  }
0x89: {  	_ =	shalt  }

</sc_bundles>
